<compile_context>
chip_gen: v7x
topology: tpu7x:2x2x1
jax: 0.10.2.dev20260603
libtpu: 0.0.44.dev20260713+nightly
codegen_flags: <defaults>
</compile_context>

<pallas_src>
import functools

import jax
import jax.numpy as jnp
from jax import lax
from jax.experimental import pallas as pl
from jax.experimental.pallas import tpu as pltpu
from jax.experimental.pallas import tpu_sc as plsc

HIDDEN = 768
NUM_EMB = 32
VOCAB = 8192
SEQ = 4096
V_BLK = 1024

SPLIT = 16
ROW = VOCAB // SPLIT
N_IDX = SEQ * SPLIT
N_TROWS = NUM_EMB * SPLIT

NC, NS = 2, 16
NW = NC * NS
CHUNK = 64
PER_W = N_IDX // NW


def _table_kern(emb_ref, pw_ref, out_ref):
    out_ref[...] = jax.lax.dot_general(
        emb_ref[...], pw_ref[...],
        (((1,), (1,)), ((), ())),
        preferred_element_type=jnp.float32,
    )


def _make_table(embedding, proj_w):
    return pl.pallas_call(
        _table_kern,
        grid=(VOCAB // V_BLK,),
        in_specs=[
            pl.BlockSpec((NUM_EMB, HIDDEN), lambda j: (0, 0)),
            pl.BlockSpec((V_BLK, HIDDEN), lambda j: (j, 0)),
        ],
        out_specs=pl.BlockSpec((NUM_EMB, V_BLK), lambda j: (0, j)),
        out_shape=jax.ShapeDtypeStruct((NUM_EMB, VOCAB), jnp.float32),
    )(embedding, proj_w)


def _rep_kern(t_ref, out_ref):
    out_ref[0, :, :] = t_ref[...]


def _replicate(table512):
    return pl.pallas_call(
        _rep_kern,
        grid=(NW,),
        in_specs=[pl.BlockSpec((N_TROWS, ROW), lambda j: (0, 0))],
        out_specs=pl.BlockSpec((1, N_TROWS, ROW), lambda j: (j, 0, 0)),
        out_shape=jax.ShapeDtypeStruct((NW, N_TROWS, ROW), jnp.float32),
    )(table512)


def _sc_gather(table_rep, idx):
    mesh = plsc.VectorSubcoreMesh(core_axis_name="c", subcore_axis_name="s")
    n_chunks = PER_W // CHUNK

    @functools.partial(
        pl.kernel,
        mesh=mesh,
        out_type=jax.ShapeDtypeStruct((N_IDX, ROW), jnp.float32),
        scratch_types=[
            pltpu.VMEM((PER_W,), jnp.int32),
            pltpu.VMEM((CHUNK, ROW), jnp.float32),
            pltpu.VMEM((CHUNK, ROW), jnp.float32),
            pltpu.SemaphoreType.DMA,
            pltpu.SemaphoreType.DMA,
            pltpu.SemaphoreType.DMA,
            pltpu.SemaphoreType.DMA,
        ],
    )
    def k(table_hbm, idx_hbm, out_hbm, idx_v, rows0, rows1,
          sem_g0, sem_g1, sem_w0, sem_w1):
        wid = lax.axis_index("s") * NC + lax.axis_index("c")
        base = wid * PER_W
        my_tbl = table_hbm.at[wid]
        rows = (rows0, rows1)
        sem_g = (sem_g0, sem_g1)
        sem_w = (sem_w0, sem_w1)

        pltpu.sync_copy(idx_hbm.at[pl.ds(base, PER_W)], idx_v)

        def islc(c):
            return idx_v.at[pl.ds(c * CHUNK, CHUNK)]

        def g_start(c, b):
            pltpu.async_copy(my_tbl.at[islc(c)], rows[b], sem_g[b])

        def g_wait(c, b):
            pltpu.make_async_copy(my_tbl.at[islc(c)], rows[b], sem_g[b]).wait()

        def w_start(c, b):
            pltpu.async_copy(rows[b], out_hbm.at[pl.ds(base + c * CHUNK, CHUNK)],
                             sem_w[b])

        def w_wait(c, b):
            pltpu.make_async_copy(rows[b],
                                  out_hbm.at[pl.ds(base + c * CHUNK, CHUNK)],
                                  sem_w[b]).wait()

        g_start(0, 0)
        g_start(1, 1)

        @pl.loop(0, n_chunks - 2, step=2)
        def _(i):
            for b in range(2):
                c = i + b
                g_wait(c, b)
                w_start(c, b)
                w_wait(c, b)
                g_start(c + 2, b)

        for b in range(2):
            c = n_chunks - 2 + b
            g_wait(c, b)
            w_start(c, b)
            w_wait(c, b)

    return k(table_rep, idx)


def kernel(input_ids, embedding, proj_w):
    b, s = input_ids.shape
    table = _make_table(embedding, proj_w)
    table_rep = _replicate(table.reshape(N_TROWS, ROW))
    idx = (input_ids.reshape(-1, 1) * SPLIT
           + jnp.arange(SPLIT, dtype=jnp.int32)).reshape(-1)
    out = _sc_gather(table_rep, idx)
    return out.reshape(b, s, VOCAB)

# --- scband reference (transcript-rebuilt; emitter-appended) ---
"""Pipeline reference for scband-student-vlm-23957327577466 (READ-ONLY COPY).

The authoritative reference and input builder live on the scoring server;
editing this copy changes nothing except your own understanding.
"""

import jax, jax.numpy as jnp
import numpy as np

HIDDEN_SIZE = 768
VOCAB_SIZE = 8192
NUM_EMBEDDINGS = 32  # hard-coded in the torch module: nn.Embedding(32, hidden_size)
BATCH = 1
SEQ_LEN = 4096


def setup_inputs(seed: int = 0) -> dict:
    key = jax.random.key(seed)
    k_ids, k_emb, k_proj = jax.random.split(key, 3)
    input_ids = jax.random.randint(k_ids, (BATCH, SEQ_LEN), 0, NUM_EMBEDDINGS, dtype=jnp.int32)
    # learned parameters
    embedding = jax.random.normal(k_emb, (NUM_EMBEDDINGS, HIDDEN_SIZE), dtype=jnp.float32)
    proj_w = jax.random.normal(k_proj, (VOCAB_SIZE, HIDDEN_SIZE), dtype=jnp.float32) * 0.02  # nn.Linear weight [out, in], bias=False
    return {"input_ids": input_ids, "embedding": embedding, "proj_w": proj_w}


def reference(input_ids, embedding, proj_w):
    # forward(input_ids): inputs_embeds = embedding(input_ids); logits = proj(inputs_embeds)
    inputs_embeds = jnp.take(embedding, input_ids, axis=0)  # [B, S, H]
    logits = jnp.einsum('bsh,vh->bsv', inputs_embeds, proj_w)  # [B, S, V]
    return logits

if __name__ == "__main__":
    import jax
    _d = setup_inputs()
    print(jax.jit(kernel)(*tuple(_d.values())))

</pallas_src>

<mosaic_0001>
#map = affine_map<(d0, d1) -> (0, 0, 0)>
#map1 = affine_map<(d0, d1) -> (0)>
#map2 = affine_map<(d0, d1) -> (0, 0)>
module attributes {stable_mosaic.version = 14 : i64} {
  func.func @k(%arg0: i32, %arg1: i32, %arg2: memref<32x512x512xf32, #tpu.memory_space<hbm>>, %arg3: memref<65536xi32, #tpu.memory_space<hbm>>, %arg4: memref<65536x512xf32, #tpu.memory_space<hbm>>, %arg5: memref<2048xi32, #tpu.memory_space<vmem>>, %arg6: memref<64x512xf32, #tpu.memory_space<vmem>>, %arg7: memref<64x512xf32, #tpu.memory_space<vmem>>, %arg8: memref<!tpu.dma_semaphore, #tpu.memory_space<semaphore_mem>>, %arg9: memref<!tpu.dma_semaphore, #tpu.memory_space<semaphore_mem>>, %arg10: memref<!tpu.dma_semaphore, #tpu.memory_space<semaphore_mem>>, %arg11: memref<!tpu.dma_semaphore, #tpu.memory_space<semaphore_mem>>) attributes {dimension_semantics = [#tpu.dimension_semantics<core_parallel>, #tpu.dimension_semantics<subcore_parallel>], iteration_bounds = array<i64: 2, 16>, scalar_prefetch = 0 : i64, scratch_operands = 7 : i64, tpu.core_type = #tpu.core_type<sc_vector_subcore>, window_params = [{transform_indices = #map}, {transform_indices = #map1}, {transform_indices = #map2}]} {
    %mul3A = arith.constant 2 : i32
    %mul3A_0 = arith.muli %arg1, %mul3A : i32
    %add3A = arith.addi %mul3A_0, %arg0 : i32
    %mul3A_1 = arith.constant 2048 : i32
    %mul3A_2 = arith.muli %add3A, %mul3A_1 : i32
    "tpu.region"() ({
      %run_scoped3A = tpu.sem_alloc : memref<!tpu.dma_semaphore, #tpu.memory_space<semaphore_mem>>
      %dma_start3A_65 = tpu.memref_slice %arg3[%mul3A_2] : memref<65536xi32, #tpu.memory_space<hbm>> -> memref<2048xi32, #tpu.memory_space<hbm>>
      %dma_start3A_66 = tpu.memref_slice %arg3[%mul3A_2] : memref<65536xi32, #tpu.memory_space<hbm>> -> memref<2048xi32, #tpu.memory_space<hbm>>
      tpu.enqueue_dma source(%dma_start3A_66 : memref<2048xi32, #tpu.memory_space<hbm>>) target(%arg5 : memref<2048xi32, #tpu.memory_space<vmem>>) target_semaphore(%run_scoped3A : memref<!tpu.dma_semaphore, #tpu.memory_space<semaphore_mem>>)
      %dma_wait3A_67 = tpu.memref_slice %arg3[%mul3A_2] : memref<65536xi32, #tpu.memory_space<hbm>> -> memref<2048xi32, #tpu.memory_space<hbm>>
      %dma_wait3A_68 = tpu.memref_slice %arg3[%mul3A_2] : memref<65536xi32, #tpu.memory_space<hbm>> -> memref<2048xi32, #tpu.memory_space<hbm>>
      tpu.wait_dma2 semaphore(%run_scoped3A : memref<!tpu.dma_semaphore, #tpu.memory_space<semaphore_mem>>) src(%dma_wait3A_68 : memref<2048xi32, #tpu.memory_space<hbm>>) dst(%arg5 : memref<2048xi32, #tpu.memory_space<vmem>>)
      tpu.yield
    }) : () -> ()
    %dma_start3A = arith.constant 0 : i32
    %dma_start3A_3 = tpu.memref_slice %arg5[%dma_start3A] : memref<2048xi32, #tpu.memory_space<vmem>> -> memref<64xi32, #tpu.memory_space<vmem>>
    %dma_start3A_4 = arith.constant 0 : i32
    %dma_start3A_5 = arith.constant 0 : i32
    %dma_start3A_6 = tpu.memref_slice %arg2[%add3A, %dma_start3A_4, %dma_start3A_5] : memref<32x512x512xf32, #tpu.memory_space<hbm>> -> memref<1x512x512xf32, #tpu.memory_space<hbm>>
    %dma_start3A_7 = tpu.memref_squeeze %dma_start3A_6 : memref<1x512x512xf32, #tpu.memory_space<hbm>> -> memref<512x512xf32, #tpu.memory_space<hbm>>
    %dma_start3A_8 = arith.constant 0 : i32
    %dma_start3A_9 = arith.constant 0 : i32
    %dma_start3A_10 = tpu.memref_slice %dma_start3A_7[%dma_start3A_8, %dma_start3A_9] : memref<512x512xf32, #tpu.memory_space<hbm>> -> memref<512x512xf32, #tpu.memory_space<hbm>>
    tpu.enqueue_indirect_dma source(%dma_start3A_10 : memref<512x512xf32, #tpu.memory_space<hbm>>) target(%arg6 : memref<64x512xf32, #tpu.memory_space<vmem>>) offsets(%dma_start3A_3 : memref<64xi32, #tpu.memory_space<vmem>>) semaphore(%arg8 : memref<!tpu.dma_semaphore, #tpu.memory_space<semaphore_mem>>)
    %dma_start3A_11 = arith.constant 64 : i32
    %dma_start3A_12 = tpu.memref_slice %arg5[%dma_start3A_11] : memref<2048xi32, #tpu.memory_space<vmem>> -> memref<64xi32, #tpu.memory_space<vmem>>
    %dma_start3A_13 = arith.constant 0 : i32
    %dma_start3A_14 = arith.constant 0 : i32
    %dma_start3A_15 = tpu.memref_slice %arg2[%add3A, %dma_start3A_13, %dma_start3A_14] : memref<32x512x512xf32, #tpu.memory_space<hbm>> -> memref<1x512x512xf32, #tpu.memory_space<hbm>>
    %dma_start3A_16 = tpu.memref_squeeze %dma_start3A_15 : memref<1x512x512xf32, #tpu.memory_space<hbm>> -> memref<512x512xf32, #tpu.memory_space<hbm>>
    %dma_start3A_17 = arith.constant 0 : i32
    %dma_start3A_18 = arith.constant 0 : i32
    %dma_start3A_19 = tpu.memref_slice %dma_start3A_16[%dma_start3A_17, %dma_start3A_18] : memref<512x512xf32, #tpu.memory_space<hbm>> -> memref<512x512xf32, #tpu.memory_space<hbm>>
    tpu.enqueue_indirect_dma source(%dma_start3A_19 : memref<512x512xf32, #tpu.memory_space<hbm>>) target(%arg7 : memref<64x512xf32, #tpu.memory_space<vmem>>) offsets(%dma_start3A_12 : memref<64xi32, #tpu.memory_space<vmem>>) semaphore(%arg9 : memref<!tpu.dma_semaphore, #tpu.memory_space<semaphore_mem>>)
    %scan3A = arith.constant 0 : i32
    %scan3A_20 = arith.constant 15 : i32
    %scan3A_21 = arith.addi %scan3A, %scan3A_20 : i32
    %scan3A_22 = arith.constant 1 : i32
    scf.for %scan3A_65 = %scan3A to %scan3A_21 step %scan3A_22  : i32 {
      %mul3A_66 = arith.constant 2 : i32
      %mul3A_67 = arith.muli %scan3A_65, %mul3A_66 : i32
      %add3A_68 = arith.constant 0 : i32
      %add3A_69 = arith.addi %add3A_68, %mul3A_67 : i32
      %add3A_70 = arith.constant 0 : i32
      %add3A_71 = arith.addi %add3A_69, %add3A_70 : i32
      %mul3A_72 = arith.constant 64 : i32
      %mul3A_73 = arith.muli %add3A_71, %mul3A_72 : i32
      %dma_wait3A_74 = tpu.memref_slice %arg5[%mul3A_73] : memref<2048xi32, #tpu.memory_space<vmem>> -> memref<64xi32, #tpu.memory_space<vmem>>
      %dma_wait3A_75 = arith.constant 0 : i32
      %dma_wait3A_76 = arith.constant 0 : i32
      %dma_wait3A_77 = tpu.memref_slice %arg2[%add3A, %dma_wait3A_75, %dma_wait3A_76] : memref<32x512x512xf32, #tpu.memory_space<hbm>> -> memref<1x512x512xf32, #tpu.memory_space<hbm>>
      %dma_wait3A_78 = tpu.memref_squeeze %dma_wait3A_77 : memref<1x512x512xf32, #tpu.memory_space<hbm>> -> memref<512x512xf32, #tpu.memory_space<hbm>>
      %dma_wait3A_79 = arith.constant 0 : i32
      %dma_wait3A_80 = arith.constant 0 : i32
      %dma_wait3A_81 = tpu.memref_slice %dma_wait3A_78[%dma_wait3A_79, %dma_wait3A_80] : memref<512x512xf32, #tpu.memory_space<hbm>> -> memref<512x512xf32, #tpu.memory_space<hbm>>
      tpu.wait_indirect_dma semaphore(%arg8 : memref<!tpu.dma_semaphore, #tpu.memory_space<semaphore_mem>>) src(%dma_wait3A_81 : memref<512x512xf32, #tpu.memory_space<hbm>>) dst(%arg6 : memref<64x512xf32, #tpu.memory_space<vmem>>)
      %mul3A_82 = arith.constant 64 : i32
      %mul3A_83 = arith.muli %add3A_71, %mul3A_82 : i32
      %add3A_84 = arith.addi %mul3A_2, %mul3A_83 : i32
      %dma_start3A_85 = arith.constant 0 : i32
      %dma_start3A_86 = tpu.memref_slice %arg4[%add3A_84, %dma_start3A_85] : memref<65536x512xf32, #tpu.memory_space<hbm>> -> memref<64x512xf32, #tpu.memory_space<hbm>>
      %dma_start3A_87 = arith.constant 0 : i32
      %dma_start3A_88 = tpu.memref_slice %arg4[%add3A_84, %dma_start3A_87] : memref<65536x512xf32, #tpu.memory_space<hbm>> -> memref<64x512xf32, #tpu.memory_space<hbm>>
      tpu.enqueue_dma source(%arg6 : memref<64x512xf32, #tpu.memory_space<vmem>>) target(%dma_start3A_88 : memref<64x512xf32, #tpu.memory_space<hbm>>) target_semaphore(%arg10 : memref<!tpu.dma_semaphore, #tpu.memory_space<semaphore_mem>>)
      %mul3A_89 = arith.constant 64 : i32
      %mul3A_90 = arith.muli %add3A_71, %mul3A_89 : i32
      %add3A_91 = arith.addi %mul3A_2, %mul3A_90 : i32
      %dma_wait3A_92 = arith.constant 0 : i32
      %dma_wait3A_93 = tpu.memref_slice %arg4[%add3A_91, %dma_wait3A_92] : memref<65536x512xf32, #tpu.memory_space<hbm>> -> memref<64x512xf32, #tpu.memory_space<hbm>>
      %dma_wait3A_94 = arith.constant 0 : i32
      %dma_wait3A_95 = tpu.memref_slice %arg4[%add3A_91, %dma_wait3A_94] : memref<65536x512xf32, #tpu.memory_space<hbm>> -> memref<64x512xf32, #tpu.memory_space<hbm>>
      tpu.wait_dma2 semaphore(%arg10 : memref<!tpu.dma_semaphore, #tpu.memory_space<semaphore_mem>>) src(%arg6 : memref<64x512xf32, #tpu.memory_space<vmem>>) dst(%dma_wait3A_95 : memref<64x512xf32, #tpu.memory_space<hbm>>)
      %add3A_96 = arith.constant 2 : i32
      %add3A_97 = arith.addi %add3A_71, %add3A_96 : i32
      %mul3A_98 = arith.constant 64 : i32
      %mul3A_99 = arith.muli %add3A_97, %mul3A_98 : i32
      %dma_start3A_100 = tpu.memref_slice %arg5[%mul3A_99] : memref<2048xi32, #tpu.memory_space<vmem>> -> memref<64xi32, #tpu.memory_space<vmem>>
      %dma_start3A_101 = arith.constant 0 : i32
      %dma_start3A_102 = arith.constant 0 : i32
      %dma_start3A_103 = tpu.memref_slice %arg2[%add3A, %dma_start3A_101, %dma_start3A_102] : memref<32x512x512xf32, #tpu.memory_space<hbm>> -> memref<1x512x512xf32, #tpu.memory_space<hbm>>
      %dma_start3A_104 = tpu.memref_squeeze %dma_start3A_103 : memref<1x512x512xf32, #tpu.memory_space<hbm>> -> memref<512x512xf32, #tpu.memory_space<hbm>>
      %dma_start3A_105 = arith.constant 0 : i32
      %dma_start3A_106 = arith.constant 0 : i32
      %dma_start3A_107 = tpu.memref_slice %dma_start3A_104[%dma_start3A_105, %dma_start3A_106] : memref<512x512xf32, #tpu.memory_space<hbm>> -> memref<512x512xf32, #tpu.memory_space<hbm>>
      tpu.enqueue_indirect_dma source(%dma_start3A_107 : memref<512x512xf32, #tpu.memory_space<hbm>>) target(%arg6 : memref<64x512xf32, #tpu.memory_space<vmem>>) offsets(%dma_start3A_100 : memref<64xi32, #tpu.memory_space<vmem>>) semaphore(%arg8 : memref<!tpu.dma_semaphore, #tpu.memory_space<semaphore_mem>>)
      %add3A_108 = arith.constant 1 : i32
      %add3A_109 = arith.addi %add3A_69, %add3A_108 : i32
      %mul3A_110 = arith.constant 64 : i32
      %mul3A_111 = arith.muli %add3A_109, %mul3A_110 : i32
      %dma_wait3A_112 = tpu.memref_slice %arg5[%mul3A_111] : memref<2048xi32, #tpu.memory_space<vmem>> -> memref<64xi32, #tpu.memory_space<vmem>>
      %dma_wait3A_113 = arith.constant 0 : i32
      %dma_wait3A_114 = arith.constant 0 : i32
      %dma_wait3A_115 = tpu.memref_slice %arg2[%add3A, %dma_wait3A_113, %dma_wait3A_114] : memref<32x512x512xf32, #tpu.memory_space<hbm>> -> memref<1x512x512xf32, #tpu.memory_space<hbm>>
      %dma_wait3A_116 = tpu.memref_squeeze %dma_wait3A_115 : memref<1x512x512xf32, #tpu.memory_space<hbm>> -> memref<512x512xf32, #tpu.memory_space<hbm>>
      %dma_wait3A_117 = arith.constant 0 : i32
      %dma_wait3A_118 = arith.constant 0 : i32
      %dma_wait3A_119 = tpu.memref_slice %dma_wait3A_116[%dma_wait3A_117, %dma_wait3A_118] : memref<512x512xf32, #tpu.memory_space<hbm>> -> memref<512x512xf32, #tpu.memory_space<hbm>>
      tpu.wait_indirect_dma semaphore(%arg9 : memref<!tpu.dma_semaphore, #tpu.memory_space<semaphore_mem>>) src(%dma_wait3A_119 : memref<512x512xf32, #tpu.memory_space<hbm>>) dst(%arg7 : memref<64x512xf32, #tpu.memory_space<vmem>>)
      %mul3A_120 = arith.constant 64 : i32
      %mul3A_121 = arith.muli %add3A_109, %mul3A_120 : i32
      %add3A_122 = arith.addi %mul3A_2, %mul3A_121 : i32
      %dma_start3A_123 = arith.constant 0 : i32
      %dma_start3A_124 = tpu.memref_slice %arg4[%add3A_122, %dma_start3A_123] : memref<65536x512xf32, #tpu.memory_space<hbm>> -> memref<64x512xf32, #tpu.memory_space<hbm>>
      %dma_start3A_125 = arith.constant 0 : i32
      %dma_start3A_126 = tpu.memref_slice %arg4[%add3A_122, %dma_start3A_125] : memref<65536x512xf32, #tpu.memory_space<hbm>> -> memref<64x512xf32, #tpu.memory_space<hbm>>
      tpu.enqueue_dma source(%arg7 : memref<64x512xf32, #tpu.memory_space<vmem>>) target(%dma_start3A_126 : memref<64x512xf32, #tpu.memory_space<hbm>>) target_semaphore(%arg11 : memref<!tpu.dma_semaphore, #tpu.memory_space<semaphore_mem>>)
      %mul3A_127 = arith.constant 64 : i32
      %mul3A_128 = arith.muli %add3A_109, %mul3A_127 : i32
      %add3A_129 = arith.addi %mul3A_2, %mul3A_128 : i32
      %dma_wait3A_130 = arith.constant 0 : i32
      %dma_wait3A_131 = tpu.memref_slice %arg4[%add3A_129, %dma_wait3A_130] : memref<65536x512xf32, #tpu.memory_space<hbm>> -> memref<64x512xf32, #tpu.memory_space<hbm>>
      %dma_wait3A_132 = arith.constant 0 : i32
      %dma_wait3A_133 = tpu.memref_slice %arg4[%add3A_129, %dma_wait3A_132] : memref<65536x512xf32, #tpu.memory_space<hbm>> -> memref<64x512xf32, #tpu.memory_space<hbm>>
      tpu.wait_dma2 semaphore(%arg11 : memref<!tpu.dma_semaphore, #tpu.memory_space<semaphore_mem>>) src(%arg7 : memref<64x512xf32, #tpu.memory_space<vmem>>) dst(%dma_wait3A_133 : memref<64x512xf32, #tpu.memory_space<hbm>>)
      %add3A_134 = arith.constant 2 : i32
      %add3A_135 = arith.addi %add3A_109, %add3A_134 : i32
      %mul3A_136 = arith.constant 64 : i32
      %mul3A_137 = arith.muli %add3A_135, %mul3A_136 : i32
      %dma_start3A_138 = tpu.memref_slice %arg5[%mul3A_137] : memref<2048xi32, #tpu.memory_space<vmem>> -> memref<64xi32, #tpu.memory_space<vmem>>
      %dma_start3A_139 = arith.constant 0 : i32
      %dma_start3A_140 = arith.constant 0 : i32
      %dma_start3A_141 = tpu.memref_slice %arg2[%add3A, %dma_start3A_139, %dma_start3A_140] : memref<32x512x512xf32, #tpu.memory_space<hbm>> -> memref<1x512x512xf32, #tpu.memory_space<hbm>>
      %dma_start3A_142 = tpu.memref_squeeze %dma_start3A_141 : memref<1x512x512xf32, #tpu.memory_space<hbm>> -> memref<512x512xf32, #tpu.memory_space<hbm>>
      %dma_start3A_143 = arith.constant 0 : i32
      %dma_start3A_144 = arith.constant 0 : i32
      %dma_start3A_145 = tpu.memref_slice %dma_start3A_142[%dma_start3A_143, %dma_start3A_144] : memref<512x512xf32, #tpu.memory_space<hbm>> -> memref<512x512xf32, #tpu.memory_space<hbm>>
      tpu.enqueue_indirect_dma source(%dma_start3A_145 : memref<512x512xf32, #tpu.memory_space<hbm>>) target(%arg7 : memref<64x512xf32, #tpu.memory_space<vmem>>) offsets(%dma_start3A_138 : memref<64xi32, #tpu.memory_space<vmem>>) semaphore(%arg9 : memref<!tpu.dma_semaphore, #tpu.memory_space<semaphore_mem>>)
    }
    %scan3A_23 = arith.constant 15 : i32
    %dma_wait3A = arith.constant 1920 : i32
    %dma_wait3A_24 = tpu.memref_slice %arg5[%dma_wait3A] : memref<2048xi32, #tpu.memory_space<vmem>> -> memref<64xi32, #tpu.memory_space<vmem>>
    %dma_wait3A_25 = arith.constant 0 : i32
    %dma_wait3A_26 = arith.constant 0 : i32
    %dma_wait3A_27 = tpu.memref_slice %arg2[%add3A, %dma_wait3A_25, %dma_wait3A_26] : memref<32x512x512xf32, #tpu.memory_space<hbm>> -> memref<1x512x512xf32, #tpu.memory_space<hbm>>
    %dma_wait3A_28 = tpu.memref_squeeze %dma_wait3A_27 : memref<1x512x512xf32, #tpu.memory_space<hbm>> -> memref<512x512xf32, #tpu.memory_space<hbm>>
    %dma_wait3A_29 = arith.constant 0 : i32
    %dma_wait3A_30 = arith.constant 0 : i32
    %dma_wait3A_31 = tpu.memref_slice %dma_wait3A_28[%dma_wait3A_29, %dma_wait3A_30] : memref<512x512xf32, #tpu.memory_space<hbm>> -> memref<512x512xf32, #tpu.memory_space<hbm>>
    tpu.wait_indirect_dma semaphore(%arg8 : memref<!tpu.dma_semaphore, #tpu.memory_space<semaphore_mem>>) src(%dma_wait3A_31 : memref<512x512xf32, #tpu.memory_space<hbm>>) dst(%arg6 : memref<64x512xf32, #tpu.memory_space<vmem>>)
    %add3A_32 = arith.constant 1920 : i32
    %add3A_33 = arith.addi %mul3A_2, %add3A_32 : i32
    %dma_start3A_34 = arith.constant 0 : i32
    %dma_start3A_35 = tpu.memref_slice %arg4[%add3A_33, %dma_start3A_34] : memref<65536x512xf32, #tpu.memory_space<hbm>> -> memref<64x512xf32, #tpu.memory_space<hbm>>
    %dma_start3A_36 = arith.constant 0 : i32
    %dma_start3A_37 = tpu.memref_slice %arg4[%add3A_33, %dma_start3A_36] : memref<65536x512xf32, #tpu.memory_space<hbm>> -> memref<64x512xf32, #tpu.memory_space<hbm>>
    tpu.enqueue_dma source(%arg6 : memref<64x512xf32, #tpu.memory_space<vmem>>) target(%dma_start3A_37 : memref<64x512xf32, #tpu.memory_space<hbm>>) target_semaphore(%arg10 : memref<!tpu.dma_semaphore, #tpu.memory_space<semaphore_mem>>)
    %add3A_38 = arith.constant 1920 : i32
    %add3A_39 = arith.addi %mul3A_2, %add3A_38 : i32
    %dma_wait3A_40 = arith.constant 0 : i32
    %dma_wait3A_41 = tpu.memref_slice %arg4[%add3A_39, %dma_wait3A_40] : memref<65536x512xf32, #tpu.memory_space<hbm>> -> memref<64x512xf32, #tpu.memory_space<hbm>>
    %dma_wait3A_42 = arith.constant 0 : i32
    %dma_wait3A_43 = tpu.memref_slice %arg4[%add3A_39, %dma_wait3A_42] : memref<65536x512xf32, #tpu.memory_space<hbm>> -> memref<64x512xf32, #tpu.memory_space<hbm>>
    tpu.wait_dma2 semaphore(%arg10 : memref<!tpu.dma_semaphore, #tpu.memory_space<semaphore_mem>>) src(%arg6 : memref<64x512xf32, #tpu.memory_space<vmem>>) dst(%dma_wait3A_43 : memref<64x512xf32, #tpu.memory_space<hbm>>)
    %dma_wait3A_44 = arith.constant 1984 : i32
    %dma_wait3A_45 = tpu.memref_slice %arg5[%dma_wait3A_44] : memref<2048xi32, #tpu.memory_space<vmem>> -> memref<64xi32, #tpu.memory_space<vmem>>
    %dma_wait3A_46 = arith.constant 0 : i32
    %dma_wait3A_47 = arith.constant 0 : i32
    %dma_wait3A_48 = tpu.memref_slice %arg2[%add3A, %dma_wait3A_46, %dma_wait3A_47] : memref<32x512x512xf32, #tpu.memory_space<hbm>> -> memref<1x512x512xf32, #tpu.memory_space<hbm>>
    %dma_wait3A_49 = tpu.memref_squeeze %dma_wait3A_48 : memref<1x512x512xf32, #tpu.memory_space<hbm>> -> memref<512x512xf32, #tpu.memory_space<hbm>>
    %dma_wait3A_50 = arith.constant 0 : i32
    %dma_wait3A_51 = arith.constant 0 : i32
    %dma_wait3A_52 = tpu.memref_slice %dma_wait3A_49[%dma_wait3A_50, %dma_wait3A_51] : memref<512x512xf32, #tpu.memory_space<hbm>> -> memref<512x512xf32, #tpu.memory_space<hbm>>
    tpu.wait_indirect_dma semaphore(%arg9 : memref<!tpu.dma_semaphore, #tpu.memory_space<semaphore_mem>>) src(%dma_wait3A_52 : memref<512x512xf32, #tpu.memory_space<hbm>>) dst(%arg7 : memref<64x512xf32, #tpu.memory_space<vmem>>)
    %add3A_53 = arith.constant 1984 : i32
    %add3A_54 = arith.addi %mul3A_2, %add3A_53 : i32
    %dma_start3A_55 = arith.constant 0 : i32
    %dma_start3A_56 = tpu.memref_slice %arg4[%add3A_54, %dma_start3A_55] : memref<65536x512xf32, #tpu.memory_space<hbm>> -> memref<64x512xf32, #tpu.memory_space<hbm>>
    %dma_start3A_57 = arith.constant 0 : i32
    %dma_start3A_58 = tpu.memref_slice %arg4[%add3A_54, %dma_start3A_57] : memref<65536x512xf32, #tpu.memory_space<hbm>> -> memref<64x512xf32, #tpu.memory_space<hbm>>
    tpu.enqueue_dma source(%arg7 : memref<64x512xf32, #tpu.memory_space<vmem>>) target(%dma_start3A_58 : memref<64x512xf32, #tpu.memory_space<hbm>>) target_semaphore(%arg11 : memref<!tpu.dma_semaphore, #tpu.memory_space<semaphore_mem>>)
    %add3A_59 = arith.constant 1984 : i32
    %add3A_60 = arith.addi %mul3A_2, %add3A_59 : i32
    %dma_wait3A_61 = arith.constant 0 : i32
    %dma_wait3A_62 = tpu.memref_slice %arg4[%add3A_60, %dma_wait3A_61] : memref<65536x512xf32, #tpu.memory_space<hbm>> -> memref<64x512xf32, #tpu.memory_space<hbm>>
    %dma_wait3A_63 = arith.constant 0 : i32
    %dma_wait3A_64 = tpu.memref_slice %arg4[%add3A_60, %dma_wait3A_63] : memref<65536x512xf32, #tpu.memory_space<hbm>> -> memref<64x512xf32, #tpu.memory_space<hbm>>
    tpu.wait_dma2 semaphore(%arg11 : memref<!tpu.dma_semaphore, #tpu.memory_space<semaphore_mem>>) src(%arg7 : memref<64x512xf32, #tpu.memory_space<vmem>>) dst(%dma_wait3A_64 : memref<64x512xf32, #tpu.memory_space<hbm>>)
    return
  }
}

module attributes {stable_mosaic.version = 14 : i64} {
  func.func @_table_kern(%arg0: i32, %arg1: memref<32x768xf32, #tpu.memory_space<vmem>>, %arg2: memref<1024x768xf32, #tpu.memory_space<vmem>>, %arg3: memref<32x1024xf32, #tpu.memory_space<vmem>>) attributes {dimension_semantics = [#tpu.dimension_semantics<arbitrary>], iteration_bounds = array<i64: 8>, scalar_prefetch = 0 : i64, scratch_operands = 0 : i64, tpu.core_type = #tpu.core_type<tc>, window_params = [{pipeline_mode = #tpu.pipeline_mode<synchronous>, transform_indices = @transform_0, window_bounds = array<i64: 32, 768>}, {transform_indices = @transform_1, window_bounds = array<i64: 1024, 768>}, {transform_indices = @transform_2, window_bounds = array<i64: 32, 1024>}]} {
    %get3A = arith.constant 0 : index
    %get3A_0 = arith.constant 0 : index
    %get3A_1 = vector.load %arg1[%get3A, %get3A_0] : memref<32x768xf32, #tpu.memory_space<vmem>>, vector<32x768xf32>
    %get3A_2 = arith.constant 0 : index
    %get3A_3 = arith.constant 0 : index
    %get3A_4 = vector.load %arg2[%get3A_2, %get3A_3] : memref<1024x768xf32, #tpu.memory_space<vmem>>, vector<1024x768xf32>
    %dot_general3A = arith.constant dense<0.000000e+00> : vector<32x1024xf32>
    %dot_general3A_5 = tpu.matmul %get3A_1, %get3A_4, %dot_general3A {dimension_numbers = #tpu.dot_dimension_numbers<[1], [1], [0], [0], [0, 0, 1, 0], [], []>, transpose_lhs_hint = false} : vector<32x768xf32>, vector<1024x768xf32>, vector<32x1024xf32> -> vector<32x1024xf32>
    %swap3A = arith.constant 0 : index
    %swap3A_6 = arith.constant 0 : index
    %swap3A_7 = vector.load %arg3[%swap3A, %swap3A_6] : memref<32x1024xf32, #tpu.memory_space<vmem>>, vector<32x1024xf32>
    tpu.vector_store %arg3[%swap3A, %swap3A_6], %dot_general3A_5 {strides = array<i32>} : memref<32x1024xf32, #tpu.memory_space<vmem>>, vector<32x1024xf32>,
    return
  }
  func.func @transform_0(%arg0: i32) -> (i32, i32) {
    %c0_i32 = arith.constant 0 : i32
    %c0_i32_0 = arith.constant 0 : i32
    %c0_i32_1 = arith.constant 0 : i32
    return %c0_i32, %c0_i32_0 : i32, i32
  }
  func.func @transform_1(%arg0: i32) -> (i32, i32) {
    %c0_i32 = arith.constant 0 : i32
    %c0_i32_0 = arith.constant 0 : i32
    return %arg0, %c0_i32 : i32, i32
  }
  func.func @transform_2(%arg0: i32) -> (i32, i32) {
    %c0_i32 = arith.constant 0 : i32
    %c0_i32_0 = arith.constant 0 : i32
    return %c0_i32, %arg0 : i32, i32
  }
}

module attributes {stable_mosaic.version = 14 : i64} {
  func.func @_rep_kern(%arg0: i32, %arg1: memref<512x512xf32, #tpu.memory_space<vmem>>, %arg2: memref<1x512x512xf32, #tpu.memory_space<vmem>>) attributes {dimension_semantics = [#tpu.dimension_semantics<arbitrary>], iteration_bounds = array<i64: 32>, scalar_prefetch = 0 : i64, scratch_operands = 0 : i64, tpu.core_type = #tpu.core_type<tc>, window_params = [{pipeline_mode = #tpu.pipeline_mode<synchronous>, transform_indices = @transform_0, window_bounds = array<i64: 512, 512>}, {transform_indices = @transform_1, window_bounds = array<i64: 1, 512, 512>}]} {
    %get3A = arith.constant 0 : index
    %get3A_0 = arith.constant 0 : index
    %get3A_1 = vector.load %arg1[%get3A, %get3A_0] : memref<512x512xf32, #tpu.memory_space<vmem>>, vector<512x512xf32>
    %swap3A = arith.constant 0 : index
    %swap3A_2 = arith.constant 0 : index
    %swap3A_3 = arith.constant 0 : index
    %swap3A_4 = vector.load %arg2[%swap3A, %swap3A_2, %swap3A_3] : memref<1x512x512xf32, #tpu.memory_space<vmem>>, vector<1x512x512xf32>
    %swap3A_5 = vector.shape_cast %swap3A_4 : vector<1x512x512xf32> to vector<512x512xf32>
    %swap3A_6 = vector.shape_cast %get3A_1 : vector<512x512xf32> to vector<1x512x512xf32>
    tpu.vector_store %arg2[%swap3A, %swap3A_2, %swap3A_3], %swap3A_6 {strides = array<i32>} : memref<1x512x512xf32, #tpu.memory_space<vmem>>, vector<1x512x512xf32>,
    return
  }
  func.func @transform_0(%arg0: i32) -> (i32, i32) {
    %c0_i32 = arith.constant 0 : i32
    %c0_i32_0 = arith.constant 0 : i32
    %c0_i32_1 = arith.constant 0 : i32
    return %c0_i32, %c0_i32_0 : i32, i32
  }
  func.func @transform_1(%arg0: i32) -> (i32, i32, i32) {
    %c0_i32 = arith.constant 0 : i32
    %c0_i32_0 = arith.constant 0 : i32
    %c0_i32_1 = arith.constant 0 : i32
    return %arg0, %c0_i32, %c0_i32_0 : i32, i32, i32
  }
}

</mosaic_0001>

<sc_bundles>
// kernel: kernel.5.cloned.1.call-start
scs
__scs_entry_jumppad:
0x0: {  	(pc) =	sbr.rel $0x88, $3  }
0x1: {  	(tag) =	ssettag $0x0;
	lr =	simm.s32 $0x1  }
0x2: {  	[smem:$0x3F9E] =	sst lr;
	_ =	strace $0xD0000000  }
0x3: {  	_ = 	snop  }
0x4: {  	_ = 	snop  }
0x5: {  	_ = 	snop  }
0x6: {  	_ = 	snop  }
0x7: {  	_ = 	snop  }
__scs_overlays_trampoline_lowered:
0x8: {  	[smem:$0x3FAD] =	sst s0  }
0x9: {  	[smem:$0x3FAE] =	sst s1  }
0xa: {  	[smem:$0x3FAF] =	sst s2  }
0xb: {  	[smem:$0x3FB0] =	sst s3  }
0xc: {  	[smem:$0x3FB1] =	sst s4  }
0xd: {  	[smem:$0x3FB2] =	sst s5  }
0xe: {  	[smem:$0x3FB3] =	sst s6  }
0xf: {  	[smem:$0x3FB4] =	sst s7  }
0x10: {  	[smem:$0x3FB5] =	sst s8  }
0x11: {  	[smem:$0x3FB6] =	sst s9;
	s0 =	simm.s32 @!p0 $0x0  }
0x12: {  	s1 =	sld [smem:$0x3F9C];
	s0 =	simm.s32 @p0 $0x1  }
0x13: {  	[smem:$0x3FB7] =	sst s0;
	s0 =	simm.s32 @!p1 $0x0  }
0x14: {  	s2 =	sld [smem:$0x3F9B];
	s0 =	simm.s32 @p1 $0x1  }
0x15: {  	[smem:$0x3FB8] =	sst s0;
	s0 =	simm.s32 @!p2 $0x0  }
0x16: {  	s3 =	sld [smem:$0x3FDB];
	s0 =	simm.s32 @p2 $0x1  }
0x17: {  	s4 =	simm.s32 $0x1BF5;
	[smem:$0x3FBA] =	sst s0  }
0x18: {  	s0 =	sld [smem:$0x3F9D];
	_ =	swait.ge [sflag:s4], $0x0  }
0x19: {  	s7 =	sld [smem:$0x3F9E]  }
0x1a: {  	s8 =	sadd.s32 $0xFFFFE003, lr  }
0x1b: {  	s9 =	sadd.s32 $0xFFFFFEF7, lr;
	s5 =	simm.s32 $0xFFFFFFFF;
	p2 =	slt.u32 s8, $0xFFFFF086  }
0x1c: {  	p1 =	slt.u32 s9, $0xF7A;
	s5 =	simm.s32 @!p2 $0x0  }
0x1d: {  	s5 =	simm.s32 @p1 $0x1;
	p0 =	seq.s32 s7, s2  }
0x1e: {  	s7 =	smul.u32 @!p0 $0xF7A, s2;
	p2 =	seq.s32 @!p0 s5, $0x0  }
0x1f: {  	s9 =	smul.u32 $0xF7A, s1;
	s8 =	simm.s32 @!p0 $0x1BF5;
	p2 =	por !p2, p0  }
0x20: {  	[sflag:s8] =	ssyncset.s32 @!p0 $0xFFFFF086;
	s6 =	sadd.s32 @!p0 s3, s7;
	s7 =	simm.s32 @!p0 $0x108  }
0x21: {  	s3 =	sadd.s32 s3, s9;
	s6 =	sadd.s32 @!p0 $0x88, s6;
	s7 =	simm.s32 @p2 $0x1082  }
0x22: {  	[simem:s7], [sflag:s8] =	dma.local @!p0 [hbm:s6], $0xF7A  }
0x23: {  	s9 =	sor.u32 $0xD0000000, s2;
	s6 =	simm.s32 $0x108;
	_ =	swait.ge @!p0 [sflag:s8], $0x0  }
0x24: {  	s3 =	sadd.s32 $0x88, s3;
	s6 =	simm.s32 @!p1 $0x1082;
	[sflag:s4] =	ssyncset.s32 $0xFFFFF086  }
0x25: {  	[simem:s6], [sflag:s4] =	dma.local [hbm:s3], $0xF7A  }
0x26: {  	[smem:$0x3F9E] =	sst s1;
	(tag) =	ssettag s2;
	_ =	strace s9  }
0x27: {  	s1 =	sld [smem:$0x3FAE]  }
0x28: {  	s2 =	sld [smem:$0x3FAF]  }
0x29: {  	s4 =	sld [smem:$0x3FB1]  }
0x2a: {  	p0 =	seq.s32 s5, $0x0;
	s5 =	sld [smem:$0x3FB2]  }
0x2b: {  	s6 =	sld [smem:$0x3FB3]  }
0x2c: {  	s7 =	sld [smem:$0x3FB4]  }
0x2d: {  	s3 =	simm.s32 $0x108;
	s8 =	sld [smem:$0x3FB5]  }
0x2e: {  	s3 =	simm.s32 @!p0 $0x1082;
	s9 =	sld [smem:$0x3FB6]  }
0x2f: {  	lr =	sadd.s32 s0, s3;
	s0 =	sld [smem:$0x3FAD]  }
0x30: {  	s3 =	sld [smem:$0x3FB0]  }
0x31: {  	[smem:$0x3FB9] =	sst s10  }
0x32: {  	s10 =	sld [smem:$0x3FB7];
	_ =	sdelay $0x3  }
0x33: {  	p0 =	seq.s32 s10, $0x1;
	s10 =	sld [smem:$0x3FB9];
	_ =	sdelay $0x3  }
0x34: {  	[smem:$0x3FB9] =	sst s10  }
0x35: {  	s10 =	sld [smem:$0x3FB8];
	_ =	sdelay $0x3  }
0x36: {  	p1 =	seq.s32 s10, $0x1;
	s10 =	sld [smem:$0x3FB9];
	_ =	sdelay $0x3  }
0x37: {  	[smem:$0x3FB9] =	sst s10  }
0x38: {  	s10 =	sld [smem:$0x3FBA]  }
0x39: {  	_ = 	snop;
	(pc) =	sbr.ind lr, $3  }
0x3a: {  	_ = 	snop  }
0x3b: {  	_ = 	snop  }
0x3c: {  	p2 =	seq.s32 s10, $0x1;
	s10 =	sld [smem:$0x3FB9]  }
0x3d: {  	_ =	shalt  }
0x3e: {  	_ =	shalt  }
0x3f: {  	_ =	shalt  }
0x40: {  	_ =	shalt  }
0x41: {  	_ =	shalt  }
0x42: {  	_ =	shalt  }
0x43: {  	_ =	shalt  }
0x44: {  	_ =	shalt  }
0x45: {  	_ =	shalt  }
0x46: {  	_ =	shalt  }
0x47: {  	_ =	shalt  }
0x48: {  	_ =	shalt  }
0x49: {  	_ =	shalt  }
0x4a: {  	_ =	shalt  }
0x4b: {  	_ =	shalt  }
0x4c: {  	_ =	shalt  }
0x4d: {  	_ =	shalt  }
0x4e: {  	_ =	shalt  }
0x4f: {  	_ =	shalt  }
0x50: {  	_ =	shalt  }
0x51: {  	_ =	shalt  }
0x52: {  	_ =	shalt  }
0x53: {  	_ =	shalt  }
0x54: {  	_ =	shalt  }
0x55: {  	_ =	shalt  }
0x56: {  	_ =	shalt  }
0x57: {  	_ =	shalt  }
0x58: {  	_ =	shalt  }
0x59: {  	_ =	shalt  }
0x5a: {  	_ =	shalt  }
0x5b: {  	_ =	shalt  }
0x5c: {  	_ =	shalt  }
0x5d: {  	_ =	shalt  }
0x5e: {  	_ =	shalt  }
0x5f: {  	_ =	shalt  }
0x60: {  	_ =	shalt  }
0x61: {  	_ =	shalt  }
0x62: {  	_ =	shalt  }
0x63: {  	_ =	shalt  }
0x64: {  	_ =	shalt  }
0x65: {  	_ =	shalt  }
0x66: {  	_ =	shalt  }
0x67: {  	_ =	shalt  }
0x68: {  	_ =	shalt  }
0x69: {  	_ =	shalt  }
0x6a: {  	_ =	shalt  }
0x6b: {  	_ =	shalt  }
0x6c: {  	_ =	shalt  }
0x6d: {  	_ =	shalt  }
0x6e: {  	_ =	shalt  }
0x6f: {  	_ =	shalt  }
0x70: {  	_ =	shalt  }
0x71: {  	_ =	shalt  }
0x72: {  	_ =	shalt  }
0x73: {  	_ =	shalt  }
0x74: {  	_ =	shalt  }
0x75: {  	_ =	shalt  }
0x76: {  	_ =	shalt  }
0x77: {  	_ =	shalt  }
0x78: {  	_ =	shalt  }
0x79: {  	_ =	shalt  }
0x7a: {  	_ =	shalt  }
0x7b: {  	_ =	shalt  }
0x7c: {  	_ =	shalt  }
0x7d: {  	_ =	shalt  }
0x7e: {  	_ =	shalt  }
0x7f: {  	_ =	shalt  }
0x80: {  	_ =	shalt  }
0x81: {  	_ =	shalt  }
0x82: {  	_ =	shalt  }
0x83: {  	_ =	shalt  }
0x84: {  	_ =	shalt  }
0x85: {  	_ =	shalt  }
0x86: {  	_ =	shalt  }
0x87: {  	_ =	shalt  }
.Lfunc_end0:
.L_simem_size_0:
called_computation_lowered:
.L_overlay_start_0:
0x88: {  	s2 =	sld [smem:$0x3FD9]  }
0x89: {  	s3 =	sld [smem:$0x3FFE];
	_ =	sdelay $0x1  }
0x8a: {  	s1 =	srdreg.scid  }
0x8b: {  	s0 =	sand.u32 $0x1, s1  }
0x8c: {  	s17 =	sshll.u32 s0, $0xA;
	s2 =	sadd.s32 s3, s2  }
0x8d: {  	s2 =	sadd.s32 s2, s17  }
0x8e: {  	[smem:$0x3FC5] =	sst s2  }
0x8f: {  	_ = 	snop  }
0x90: {  	s2 =	sld [smem:$0x3FD0];
	(tm) =	ssettm $0x1  }
0x91: {  	s18 =	sld [smem:$0x3FFB];
	_ =	sdelay $0x3  }
0x92: {  	_ =	strace s18  }
0x93: {  	s3 =	sld [smem:$0x3FFC];
	_ =	sdelay $0x3  }
0x94: {  	_ =	strace s3  }
0x95: {  	s3 =	sld [smem:$0x3FFD];
	_ =	sdelay $0x3  }
0x96: {  	_ =	strace s3  }
0x97: {  	_ =	strace $0x8FFFFFFF  }
0x98: {  	s19 =	sld [smem:$0x3FDB];
	_ =	sdelay $0x1  }
0x99: {  	s4 =	simm.s32 $_scs_section_size  }
0x9a: {  	s5 =	simm.s32 $_size__tile_overlayer_lowered;
	s6 =	simm.s32 $_tile_overlayer_lowered  }
0x9b: {  	s22 =	simm.s32 $0x1BFF;
	s21 =	sshll.u32 s6, $0x1;
	s3 =	sadd.s32 s4, s19  }
0x9c: {  	s7 =	simm.s32 $0x0;
	s20 =	sshll.u32 s5, $0x1;
	s5 =	sadd.s32 s21, s3  }
0x9d: {  	[timem:s7], [sflag:s22] =	dma.local [hbm:s5], s20  }
0x9e: {  	_ =	swait.ge [sflag:s22], s20  }
0x9f: {  	s4 =	ssub.s32 $0x0, s20;
	[sflag:s22] =	ssyncset.done $0x0  }
0xa0: {  	[sflag:s22] =	ssyncadd.s32 s4;
	_ =	sdelay $0x1  }
0xa1: {  	s23 =	simm.s32 $0x1B8B  }
0xa2: {  	_ =	swait.ge [sflag:s23], $0x1  }
0xa3: {  	[sflag:s23] =	ssyncset.done $0x0  }
0xa4: {  	s25 =	simm.s32 $0x1B8E;
	s24 =	sld [smem:$0x3FFE];
	[sflag:s23] =	ssyncadd.s32 $0xFFFFFFFF  }
0xa5: {  	s26 =	simm.s32 $execute0_lowered;
	[smem:$0x3FD2] =	sst s25  }
0xa6: {  	s5 =	sshll.u32 s26, $0x1;
	_ =	strace $0x80000046;
	[dreg:$0x1] =	wrdreg $0xFFFFFFFF  }
0xa7: {  	s28 =	simm.s32 $_size_execute0_lowered;
	s3 =	sadd.s32 s3, s5;
	[dreg:$0x0] =	wrdreg $0x0  }
0xa8: {  	s5 =	sshll.u32 s28, $0x1;
	[dreg:$0x2] =	wrdreg s3  }
0xa9: {  	[dreg:$0x3] =	wrdreg s5  }
0xaa: {  	[dreg:$0x4] =	wrdreg $0xC0  }
0xab: {  	_ =	task [dreg:s7], $0x5FFFF  }
0xac: {  	[dreg:$0x1] =	wrdreg $0xFFFFFFFF  }
0xad: {  	[dreg:$0x0] =	wrdreg $0x60  }
0xae: {  	[dreg:$0x2] =	wrdreg s2  }
0xaf: {  	[dreg:$0x3] =	wrdreg s24  }
0xb0: {  	[dreg:$0x4] =	wrdreg $0x9  }
0xb1: {  	_ =	task.clear_ibuf [dreg:s7], $0x5FFFF;
	_ =	strace $0x90000046  }
0xb2: {  	s29 =	simm.s32 $0x9;
	_ =	strace $0x80000048  }
0xb3: {  	_ =	swait.ge [sflag:s29], $0x1  }
0xb4: {  	[sflag:s29] =	ssyncadd.s32 $0xFFFFFFFF  }
0xb5: {  	_ =	strace $0x90000048  }
0xb6: {  	_ =	sfence  }
0xb7: {  	s30 =	sld [smem:$0x0];
	_ =	sdelay $0x2  }
0xb8: {  	s31 =	sshll.u32 s1, $0xD;
	s1 =	sshrl.u32 s1, $0x2  }
0xb9: {  	s3 =	sand.u32 $0x4000, s31;
	s1 =	sadd.s32 s1, s30  }
0xba: {  	s0 =	sor.u32 s3, s0;
	s1 =	sshll.u32 s1, $0x11  }
0xbb: {  	s0 =	sor.u32 s1, s0  }
0xbc: {  	s0 =	sadd.s32 $0x8F2B, s0  }
0xbd: {  	[sflag:s0] =	ssyncadd.remote.s32 $0x1  }
0xbe: {  	_ =	sfence.sel $0xFFFF  }
0xbf: {  	[dreg:$0x0] =	wrdreg $0xFFFFFFFF;
	(pc) =	sbr.abs _section_cstart, $3  }
0xc0: {  	[dreg:$0x1] =	wrdreg $0xFFFFFFFF  }
0xc1: {  	_ =	task.clear_ibuf [dreg:s7], $0x2FFFF;
	_ =	strace $0x9FFFFFFF  }
0xc2: {  	(tm) =	ssettm $0x7FFFFFFF  }
0xc3: {  	_ =	shalt  }
tec
execute0_lowered:
.L_overlay_start_1:
0x0: {  	(tag) =	ssettag $0x1  }
0x1: {  	s0 =	rddreg [dreg:$0x0]  }
0x2: {  	s1 =	srdreg.scid;
	s8 =	stileid.u32  }
0x3: {  	s3 =	rddreg [dreg:$0x1];
	s2 =	simm.s32 $0x0;
	s20 =	simm.s32 $0x1000  }
0x4: {  	s30 =	simm.s32 $0x3000;
	s28 =	simm.s32 $0x4000;
	s29 =	simm.s32 $0x4800  }
0x5: {  	s11 =	simm.s32 $0x9000;
	s12 =	simm.s32 $0x9800;
	s13 =	simm.s32 $0xA000  }
0x6: {  	s14 =	simm.s32 $0xA800;
	s9 =	simm.s32 $0xB000;
	s31 =	simm.s32 $0xB800  }
0x7: {  	s15 =	simm.s32 $0x1;
	s16 =	simm.s32 $0x3;
	s17 =	simm.s32 $0x2  }
0x8: {  	s18 =	simm.s32 $0x4;
	s19 =	simm.s32 $0x0;
	s1 =	sand.u32 $0x1, s1  }
0x9: {  	s4 =	sshll.u32 s8, $0x1;
	[smem:$0x7FF] =	sst s2;
	s22 =	sshll.u32 s8, $0x12  }
0xa: {  	s8 =	simm.s32 $0x8000;
	s4 =	sor.u32 s1, s4;
	s6 =	ssub.s32 $0x2, s1  }
0xb: {  	_ =	strace $0x80000047;
	s1 =	sshll.u32 s1, $0x11;
	[dreg:$0x8] =	wrdreg s19  }
0xc: {  	s5 =	sshll.u32 s4, $0x8;
	s7 =	sshrl.u32 s6, $0x1;
	s21 =	sshll.u32 s4, $0x11  }
0xd: {  	s4 =	sshll.u32 s4, $0xF;
	s5 =	sadd.s32 s5, s3;
	s3 =	sadd.s32 $0x2600, s3  }
0xe: {  	s6 =	ssub.s32 s6, s7;
	s4 =	sadd.s32 s0, s4;
	s0 =	simm.s32 $0x5800  }
0xf: {  	s5 =	sadd.s32 $0x600, s5;
	s7 =	sadd.s32 s21, s3;
	s3 =	sadd.s32 s22, s3  }
0x10: {  	s26 =	smax.u32 s6, $0x1;
	s10 =	sadd.s32 $0x100, s4;
	s21 =	simm.s32 $0x1800  }
0x11: {  	s22 =	simm.s32 $0x2000;
	s6 =	simm.s32 $0x7000;
	[dreg:$0x4] =	wrdreg s5  }
0x12: {  	s23 =	sadd.s32 $0x1E000, s7;
	s24 =	sadd.s32 s1, s3;
	[dreg:$0x7] =	wrdreg s26  }
0x13: {  	s25 =	sadd.s32 $0x1F000, s7;
	s26 =	simm.s32 $0x800;
	[dreg:$0x5] =	wrdreg s23  }
0x14: {  	v2 =	vlaneseq.u32;
	s1 =	simm.s32 $0x5000;
	s3 =	simm.s32 $0x6000;
	[dreg:$0x6] =	wrdreg s25  }
0x15: {  	vm0 =	vmmov $0xffff;
	v1 =	vshrl.u32 v2, $0x3;
	s5 =	simm.s32 $0x6800;
	s7 =	simm.s32 $0x7800;
	[dreg:$0x3] =	wrdreg s24  }
0x16: {  	v0 =	vand.u32 $0x7, v2;
	v2 =	vor.u32 $0x8, v2;
	v1 =	vmul.u32 $0x8, v1;
	s23 =	simm.s32 $0x2800;
	s25 =	simm.s32 $0x3800;
	s24 =	simm.s32 $0x8800  }
.LBB2_1:
0x17: {  	s19 =	rddreg [dreg:$0x4]  }
0x18: {  	[tilespmem:s2], [sflag:$0x5] =	stream.linear.gather [hbm4b:s19+s2], $0x800, $0x38;
	[tilespmem:$0x10800] =	vst v63  }
0x19: {  	s19 =	simm.s32 $0x5  }
0x1a: {  	_ =	swait.ge [sflag:s19], $0x800  }
0x1b: {  	[sflag:s19] =	ssyncset.done $0x0  }
0x1c: {  	[sflag:s19] =	ssyncadd.s32 $0xFFFFF800  }
0x1d: {  	v3 =	vld [tilespmem:$0x0];
	_ =	sdelay $0x4  }
0x1e: {  	v4 =	vshll.u32 v3, $0x2  }
0x1f: {  	v3 =	vand.u32 $0x7, v3;
	v4 =	vand.u32 $0xFFFFFFE0, v4  }
0x20: {  	v3 =	vor.u32 v3, v4  }
0x21: {  	v4 =	vperm.xlane v3, v0;
	_ =	sdelay $0x1  }
0x22: {  	v4 =	vadd.s32 v1, v4;
	_ =	sdelay $0x1  }
0x23: {  	v3 =	vperm.xlane v3, v2;
	_ =	sdelay $0x1  }
0x24: {  	v3 =	vadd.s32 v1, v3  }
0x25: {  	[tilespmem:s26], [sflag:$0x1] =	stream.indirect_vreg.gather [hbm4b:s4+s2], $0x80, v4, vm0, $0xb8;
	[tilespmem:$0x10800] =	vst v63  }
0x26: {  	_ = 	snop  }
0x27: {  	[tilespmem:s20], [sflag:$0x1] =	stream.indirect_vreg.gather [hbm4b:s10+s2], $0x80, v4, vm0, $0xb8;
	[tilespmem:$0x10800] =	vst v63  }
0x28: {  	_ = 	snop  }
0x29: {  	[tilespmem:s21], [sflag:$0x1] =	stream.indirect_vreg.gather [hbm4b:s4+s2], $0x80, v3, vm0, $0xb8;
	[tilespmem:$0x10800] =	vst v63  }
0x2a: {  	_ = 	snop  }
0x2b: {  	[tilespmem:s22], [sflag:$0x1] =	stream.indirect_vreg.gather [hbm4b:s10+s2], $0x80, v3, vm0, $0xb8;
	[tilespmem:$0x10800] =	vst v63  }
0x2c: {  	v3 =	vld [tilespmem:$0x10];
	_ =	sdelay $0x4  }
0x2d: {  	v57 =	vshll.u32 v3, $0x2  }
0x2e: {  	v3 =	vand.u32 $0x7, v3;
	v4 =	vand.u32 $0xFFFFFFE0, v57  }
0x2f: {  	v3 =	vor.u32 v3, v4  }
0x30: {  	v4 =	vperm.xlane v3, v0;
	_ =	sdelay $0x1  }
0x31: {  	v4 =	vadd.s32 v1, v4;
	_ =	sdelay $0x1  }
0x32: {  	v3 =	vperm.xlane v3, v2;
	_ =	sdelay $0x1  }
0x33: {  	v3 =	vadd.s32 v1, v3  }
0x34: {  	[tilespmem:s23], [sflag:$0x1] =	stream.indirect_vreg.gather [hbm4b:s4+s2], $0x80, v4, vm0, $0xb8;
	[tilespmem:$0x10800] =	vst v63  }
0x35: {  	_ = 	snop  }
0x36: {  	[tilespmem:s30], [sflag:$0x1] =	stream.indirect_vreg.gather [hbm4b:s10+s2], $0x80, v4, vm0, $0xb8;
	[tilespmem:$0x10800] =	vst v63  }
0x37: {  	_ = 	snop  }
0x38: {  	[tilespmem:s25], [sflag:$0x1] =	stream.indirect_vreg.gather [hbm4b:s4+s2], $0x80, v3, vm0, $0xb8;
	[tilespmem:$0x10800] =	vst v63  }
0x39: {  	_ = 	snop  }
0x3a: {  	[tilespmem:s28], [sflag:$0x1] =	stream.indirect_vreg.gather [hbm4b:s10+s2], $0x80, v3, vm0, $0xb8;
	[tilespmem:$0x10800] =	vst v63  }
0x3b: {  	v3 =	vld [tilespmem:$0x20];
	_ =	sdelay $0x4  }
0x3c: {  	v58 =	vshll.u32 v3, $0x2  }
0x3d: {  	v3 =	vand.u32 $0x7, v3;
	v4 =	vand.u32 $0xFFFFFFE0, v58  }
0x3e: {  	v3 =	vor.u32 v3, v4  }
0x3f: {  	v4 =	vperm.xlane v3, v0;
	_ =	sdelay $0x1  }
0x40: {  	v4 =	vadd.s32 v1, v4;
	_ =	sdelay $0x1  }
0x41: {  	v3 =	vperm.xlane v3, v2;
	_ =	sdelay $0x1  }
0x42: {  	v3 =	vadd.s32 v1, v3  }
0x43: {  	[tilespmem:s29], [sflag:$0x1] =	stream.indirect_vreg.gather [hbm4b:s4+s2], $0x80, v4, vm0, $0xb8;
	[tilespmem:$0x10800] =	vst v63  }
0x44: {  	_ = 	snop  }
0x45: {  	[tilespmem:s1], [sflag:$0x1] =	stream.indirect_vreg.gather [hbm4b:s10+s2], $0x80, v4, vm0, $0xb8;
	[tilespmem:$0x10800] =	vst v63  }
0x46: {  	_ = 	snop  }
0x47: {  	[tilespmem:s0], [sflag:$0x1] =	stream.indirect_vreg.gather [hbm4b:s4+s2], $0x80, v3, vm0, $0xb8;
	[tilespmem:$0x10800] =	vst v63  }
0x48: {  	_ = 	snop  }
0x49: {  	[tilespmem:s3], [sflag:$0x1] =	stream.indirect_vreg.gather [hbm4b:s10+s2], $0x80, v3, vm0, $0xb8;
	[tilespmem:$0x10800] =	vst v63  }
0x4a: {  	v3 =	vld [tilespmem:$0x30];
	_ =	sdelay $0x4  }
0x4b: {  	v59 =	vshll.u32 v3, $0x2  }
0x4c: {  	v3 =	vand.u32 $0x7, v3;
	v4 =	vand.u32 $0xFFFFFFE0, v59  }
0x4d: {  	v3 =	vor.u32 v3, v4  }
0x4e: {  	v4 =	vperm.xlane v3, v0;
	_ =	sdelay $0x1  }
0x4f: {  	v4 =	vadd.s32 v1, v4;
	_ =	sdelay $0x1  }
0x50: {  	v3 =	vperm.xlane v3, v2;
	_ =	sdelay $0x1  }
0x51: {  	v3 =	vadd.s32 v1, v3  }
0x52: {  	[tilespmem:s5], [sflag:$0x1] =	stream.indirect_vreg.gather [hbm4b:s4+s2], $0x80, v4, vm0, $0xb8;
	[tilespmem:$0x10800] =	vst v63  }
0x53: {  	_ = 	snop  }
0x54: {  	[tilespmem:s6], [sflag:$0x1] =	stream.indirect_vreg.gather [hbm4b:s10+s2], $0x80, v4, vm0, $0xb8;
	[tilespmem:$0x10800] =	vst v63  }
0x55: {  	_ = 	snop  }
0x56: {  	[tilespmem:s7], [sflag:$0x1] =	stream.indirect_vreg.gather [hbm4b:s4+s2], $0x80, v3, vm0, $0xb8;
	[tilespmem:$0x10800] =	vst v63  }
0x57: {  	_ = 	snop  }
0x58: {  	[tilespmem:s8], [sflag:$0x1] =	stream.indirect_vreg.gather [hbm4b:s10+s2], $0x80, v3, vm0, $0xb8;
	[tilespmem:$0x10800] =	vst v63  }
0x59: {  	v3 =	vld [tilespmem:$0x40];
	_ =	sdelay $0x4  }
0x5a: {  	v60 =	vshll.u32 v3, $0x2  }
0x5b: {  	v3 =	vand.u32 $0x7, v3;
	v4 =	vand.u32 $0xFFFFFFE0, v60  }
0x5c: {  	v3 =	vor.u32 v3, v4  }
0x5d: {  	v4 =	vperm.xlane v3, v0;
	_ =	sdelay $0x1  }
0x5e: {  	v4 =	vadd.s32 v1, v4;
	_ =	sdelay $0x1  }
0x5f: {  	v3 =	vperm.xlane v3, v2;
	_ =	sdelay $0x1  }
0x60: {  	v3 =	vadd.s32 v1, v3  }
0x61: {  	[tilespmem:s24], [sflag:$0x2] =	stream.indirect_vreg.gather [hbm4b:s4+s2], $0x80, v4, vm0, $0xb8;
	[tilespmem:$0x10800] =	vst v63  }
0x62: {  	_ = 	snop  }
0x63: {  	[tilespmem:s11], [sflag:$0x2] =	stream.indirect_vreg.gather [hbm4b:s10+s2], $0x80, v4, vm0, $0xb8;
	[tilespmem:$0x10800] =	vst v63  }
0x64: {  	_ = 	snop  }
0x65: {  	[tilespmem:s12], [sflag:$0x2] =	stream.indirect_vreg.gather [hbm4b:s4+s2], $0x80, v3, vm0, $0xb8;
	[tilespmem:$0x10800] =	vst v63  }
0x66: {  	_ = 	snop  }
0x67: {  	[tilespmem:s13], [sflag:$0x2] =	stream.indirect_vreg.gather [hbm4b:s10+s2], $0x80, v3, vm0, $0xb8;
	[tilespmem:$0x10800] =	vst v63  }
0x68: {  	v3 =	vld [tilespmem:$0x50];
	_ =	sdelay $0x4  }
0x69: {  	v61 =	vshll.u32 v3, $0x2  }
0x6a: {  	v3 =	vand.u32 $0x7, v3;
	v4 =	vand.u32 $0xFFFFFFE0, v61  }
0x6b: {  	v3 =	vor.u32 v3, v4  }
0x6c: {  	v4 =	vperm.xlane v3, v0;
	_ =	sdelay $0x1  }
0x6d: {  	v4 =	vadd.s32 v1, v4;
	_ =	sdelay $0x1  }
0x6e: {  	v3 =	vperm.xlane v3, v2;
	_ =	sdelay $0x1  }
0x6f: {  	v3 =	vadd.s32 v1, v3  }
0x70: {  	[tilespmem:s14], [sflag:$0x2] =	stream.indirect_vreg.gather [hbm4b:s4+s2], $0x80, v4, vm0, $0xb8;
	[tilespmem:$0x10800] =	vst v63  }
0x71: {  	_ = 	snop  }
0x72: {  	[tilespmem:s9], [sflag:$0x2] =	stream.indirect_vreg.gather [hbm4b:s10+s2], $0x80, v4, vm0, $0xb8;
	[tilespmem:$0x10800] =	vst v63  }
0x73: {  	_ = 	snop  }
0x74: {  	[tilespmem:s31], [sflag:$0x2] =	stream.indirect_vreg.gather [hbm4b:s4+s2], $0x80, v3, vm0, $0xb8;
	[tilespmem:$0x10800] =	vst v63  }
0x75: {  	s22 =	simm.s32 $0xC000  }
0x76: {  	[tilespmem:s22], [sflag:$0x2] =	stream.indirect_vreg.gather [hbm4b:s10+s2], $0x80, v3, vm0, $0xb8;
	[tilespmem:$0x10800] =	vst v63  }
0x77: {  	v3 =	vld [tilespmem:$0x60];
	_ =	sdelay $0x4  }
0x78: {  	v62 =	vshll.u32 v3, $0x2  }
0x79: {  	v3 =	vand.u32 $0x7, v3;
	v4 =	vand.u32 $0xFFFFFFE0, v62  }
0x7a: {  	v3 =	vor.u32 v3, v4  }
0x7b: {  	v4 =	vperm.xlane v3, v0;
	_ =	sdelay $0x1  }
0x7c: {  	v4 =	vadd.s32 v1, v4;
	_ =	sdelay $0x1  }
0x7d: {  	v3 =	vperm.xlane v3, v2;
	_ =	sdelay $0x1  }
0x7e: {  	s23 =	simm.s32 $0xC800;
	v3 =	vadd.s32 v1, v3  }
0x7f: {  	[tilespmem:s23], [sflag:$0x2] =	stream.indirect_vreg.gather [hbm4b:s4+s2], $0x80, v4, vm0, $0xb8;
	[tilespmem:$0x10800] =	vst v63  }
0x80: {  	s24 =	simm.s32 $0xD000  }
0x81: {  	[tilespmem:s24], [sflag:$0x2] =	stream.indirect_vreg.gather [hbm4b:s10+s2], $0x80, v4, vm0, $0xb8;
	[tilespmem:$0x10800] =	vst v63  }
0x82: {  	s25 =	simm.s32 $0xD800  }
0x83: {  	[tilespmem:s25], [sflag:$0x2] =	stream.indirect_vreg.gather [hbm4b:s4+s2], $0x80, v3, vm0, $0xb8;
	[tilespmem:$0x10800] =	vst v63  }
0x84: {  	s26 =	simm.s32 $0xE000  }
0x85: {  	[tilespmem:s26], [sflag:$0x2] =	stream.indirect_vreg.gather [hbm4b:s10+s2], $0x80, v3, vm0, $0xb8;
	[tilespmem:$0x10800] =	vst v63  }
0x86: {  	v3 =	vld [tilespmem:$0x70];
	_ =	sdelay $0x4  }
0x87: {  	v63 =	vshll.u32 v3, $0x2  }
0x88: {  	v3 =	vand.u32 $0x7, v3;
	v4 =	vand.u32 $0xFFFFFFE0, v63  }
0x89: {  	v3 =	vor.u32 v3, v4  }
0x8a: {  	v4 =	vperm.xlane v3, v0;
	_ =	sdelay $0x1  }
0x8b: {  	v4 =	vadd.s32 v1, v4  }
0x8c: {  	s19 =	simm.s32 $0xF0;
	s20 =	simm.s32 $0x0;
	s30 =	simm.s32 $0xE800  }
0x8d: {  	s28 =	simm.s32 $0xF800;
	s29 =	simm.s32 $0x3800;
	s1 =	simm.s32 $0xB800;
	v3 =	vperm.xlane v3, v2  }
0x8e: {  	s0 =	simm.s32 $0x10000;
	s3 =	simm.s32 $0x6000;
	s5 =	simm.s32 $0x6800  }
0x8f: {  	s6 =	simm.s32 $0x7000;
	s7 =	simm.s32 $0x7800;
	s8 =	simm.s32 $0x8000;
	v3 =	vadd.s32 v1, v3  }
0x90: {  	[tilespmem:s30], [sflag:$0x2] =	stream.indirect_vreg.gather [hbm4b:s4+s2], $0x80, v4, vm0, $0xb8;
	[tilespmem:$0x10800] =	vst v63  }
0x91: {  	s11 =	simm.s32 $0x9000;
	s12 =	simm.s32 $0x9800;
	s22 =	simm.s32 $0xF000  }
0x92: {  	[tilespmem:s22], [sflag:$0x2] =	stream.indirect_vreg.gather [hbm4b:s10+s2], $0x80, v4, vm0, $0xb8;
	[tilespmem:$0x10800] =	vst v63  }
0x93: {  	s13 =	simm.s32 $0xA000;
	s14 =	simm.s32 $0xA800;
	s9 =	simm.s32 $0xB000  }
0x94: {  	[tilespmem:s28], [sflag:$0x2] =	stream.indirect_vreg.gather [hbm4b:s4+s2], $0x80, v3, vm0, $0xb8;
	[tilespmem:$0x10800] =	vst v63  }
0x95: {  	s31 =	simm.s32 $0x4800;
	s23 =	simm.s32 $0x1800;
	s25 =	simm.s32 $0x2800  }
0x96: {  	[tilespmem:s0], [sflag:$0x2] =	stream.indirect_vreg.gather [hbm4b:s10+s2], $0x80, v3, vm0, $0xb8;
	[tilespmem:$0x10800] =	vst v63  }
.LBB2_2:
0x97: {  	_ =	swait.ge [sflag:s15], $0x8000  }
0x98: {  	s21 =	rddreg [dreg:$0x3];
	[sflag:s15] =	ssyncset.done $0x0  }
0x99: {  	s24 =	simm.s32 $0x800;
	[sflag:s15] =	ssyncadd.s32 $0xFFFF8000;
	s21 =	sadd.s32 s20, s21  }
0x9a: {  	[hbm4b:s21+s2] =	stream.linear.scatter [tilespmem:s24], [sflag:$0x3], $0x8000, $0x38;
	[tilespmem:$0x10800] =	vst v63  }
0x9b: {  	_ =	swait.ge [sflag:s16], $0x8000  }
0x9c: {  	[sflag:s16] =	ssyncset.done $0x0  }
0x9d: {  	[sflag:s16] =	ssyncadd.s32 $0xFFFF8000  }
0x9e: {  	v3 =	vld [tilespmem:s19+$0xFFFFFF90];
	_ =	sdelay $0x4  }
0x9f: {  	v4 =	vshll.u32 v3, $0x2  }
0xa0: {  	v3 =	vand.u32 $0x7, v3;
	v4 =	vand.u32 $0xFFFFFFE0, v4  }
0xa1: {  	v3 =	vor.u32 v3, v4  }
0xa2: {  	v4 =	vperm.xlane v3, v0;
	_ =	sdelay $0x1  }
0xa3: {  	v4 =	vadd.s32 v1, v4;
	_ =	sdelay $0x1  }
0xa4: {  	v3 =	vperm.xlane v3, v2;
	_ =	sdelay $0x1  }
0xa5: {  	v3 =	vadd.s32 v1, v3  }
0xa6: {  	[tilespmem:s24], [sflag:$0x1] =	stream.indirect_vreg.gather [hbm4b:s4+s2], $0x80, v4, vm0, $0xb8;
	[tilespmem:$0x10800] =	vst v63  }
0xa7: {  	s30 =	simm.s32 $0x1000  }
0xa8: {  	[tilespmem:s30], [sflag:$0x1] =	stream.indirect_vreg.gather [hbm4b:s10+s2], $0x80, v4, vm0, $0xb8;
	[tilespmem:$0x10800] =	vst v63  }
0xa9: {  	_ = 	snop  }
0xaa: {  	[tilespmem:s23], [sflag:$0x1] =	stream.indirect_vreg.gather [hbm4b:s4+s2], $0x80, v3, vm0, $0xb8;
	[tilespmem:$0x10800] =	vst v63  }
0xab: {  	s30 =	simm.s32 $0x2000  }
0xac: {  	[tilespmem:s30], [sflag:$0x1] =	stream.indirect_vreg.gather [hbm4b:s10+s2], $0x80, v3, vm0, $0xb8;
	[tilespmem:$0x10800] =	vst v63  }
0xad: {  	v3 =	vld [tilespmem:s19+$0xFFFFFFA0];
	_ =	sdelay $0x4  }
0xae: {  	v57 =	vshll.u32 v3, $0x2  }
0xaf: {  	v3 =	vand.u32 $0x7, v3;
	v4 =	vand.u32 $0xFFFFFFE0, v57  }
0xb0: {  	v3 =	vor.u32 v3, v4  }
0xb1: {  	v4 =	vperm.xlane v3, v0;
	_ =	sdelay $0x1  }
0xb2: {  	v4 =	vadd.s32 v1, v4;
	_ =	sdelay $0x1  }
0xb3: {  	v3 =	vperm.xlane v3, v2;
	_ =	sdelay $0x1  }
0xb4: {  	v3 =	vadd.s32 v1, v3  }
0xb5: {  	[tilespmem:s25], [sflag:$0x1] =	stream.indirect_vreg.gather [hbm4b:s4+s2], $0x80, v4, vm0, $0xb8;
	[tilespmem:$0x10800] =	vst v63  }
0xb6: {  	s30 =	simm.s32 $0x3000  }
0xb7: {  	[tilespmem:s30], [sflag:$0x1] =	stream.indirect_vreg.gather [hbm4b:s10+s2], $0x80, v4, vm0, $0xb8;
	[tilespmem:$0x10800] =	vst v63  }
0xb8: {  	_ = 	snop  }
0xb9: {  	[tilespmem:s29], [sflag:$0x1] =	stream.indirect_vreg.gather [hbm4b:s4+s2], $0x80, v3, vm0, $0xb8;
	[tilespmem:$0x10800] =	vst v63  }
0xba: {  	s30 =	simm.s32 $0x4000  }
0xbb: {  	[tilespmem:s30], [sflag:$0x1] =	stream.indirect_vreg.gather [hbm4b:s10+s2], $0x80, v3, vm0, $0xb8;
	[tilespmem:$0x10800] =	vst v63  }
0xbc: {  	v3 =	vld [tilespmem:s19+$0xFFFFFFB0];
	_ =	sdelay $0x4  }
0xbd: {  	v58 =	vshll.u32 v3, $0x2  }
0xbe: {  	v3 =	vand.u32 $0x7, v3;
	v4 =	vand.u32 $0xFFFFFFE0, v58  }
0xbf: {  	v3 =	vor.u32 v3, v4  }
0xc0: {  	v4 =	vperm.xlane v3, v0;
	_ =	sdelay $0x1  }
0xc1: {  	v4 =	vadd.s32 v1, v4;
	_ =	sdelay $0x1  }
0xc2: {  	v3 =	vperm.xlane v3, v2;
	_ =	sdelay $0x1  }
0xc3: {  	v3 =	vadd.s32 v1, v3  }
0xc4: {  	[tilespmem:s31], [sflag:$0x1] =	stream.indirect_vreg.gather [hbm4b:s4+s2], $0x80, v4, vm0, $0xb8;
	[tilespmem:$0x10800] =	vst v63  }
0xc5: {  	s30 =	simm.s32 $0x5000  }
0xc6: {  	[tilespmem:s30], [sflag:$0x1] =	stream.indirect_vreg.gather [hbm4b:s10+s2], $0x80, v4, vm0, $0xb8;
	[tilespmem:$0x10800] =	vst v63  }
0xc7: {  	s30 =	simm.s32 $0x5800  }
0xc8: {  	[tilespmem:s30], [sflag:$0x1] =	stream.indirect_vreg.gather [hbm4b:s4+s2], $0x80, v3, vm0, $0xb8;
	[tilespmem:$0x10800] =	vst v63  }
0xc9: {  	_ = 	snop  }
0xca: {  	[tilespmem:s3], [sflag:$0x1] =	stream.indirect_vreg.gather [hbm4b:s10+s2], $0x80, v3, vm0, $0xb8;
	[tilespmem:$0x10800] =	vst v63  }
0xcb: {  	v3 =	vld [tilespmem:s19+$0xFFFFFFC0];
	_ =	sdelay $0x4  }
0xcc: {  	v59 =	vshll.u32 v3, $0x2  }
0xcd: {  	v3 =	vand.u32 $0x7, v3;
	v4 =	vand.u32 $0xFFFFFFE0, v59  }
0xce: {  	v3 =	vor.u32 v3, v4  }
0xcf: {  	v4 =	vperm.xlane v3, v0;
	_ =	sdelay $0x1  }
0xd0: {  	v4 =	vadd.s32 v1, v4;
	_ =	sdelay $0x1  }
0xd1: {  	v3 =	vperm.xlane v3, v2;
	_ =	sdelay $0x1  }
0xd2: {  	v3 =	vadd.s32 v1, v3  }
0xd3: {  	[tilespmem:s5], [sflag:$0x1] =	stream.indirect_vreg.gather [hbm4b:s4+s2], $0x80, v4, vm0, $0xb8;
	[tilespmem:$0x10800] =	vst v63  }
0xd4: {  	_ = 	snop  }
0xd5: {  	[tilespmem:s6], [sflag:$0x1] =	stream.indirect_vreg.gather [hbm4b:s10+s2], $0x80, v4, vm0, $0xb8;
	[tilespmem:$0x10800] =	vst v63  }
0xd6: {  	_ = 	snop  }
0xd7: {  	[tilespmem:s7], [sflag:$0x1] =	stream.indirect_vreg.gather [hbm4b:s4+s2], $0x80, v3, vm0, $0xb8;
	[tilespmem:$0x10800] =	vst v63  }
0xd8: {  	_ = 	snop  }
0xd9: {  	[tilespmem:s8], [sflag:$0x1] =	stream.indirect_vreg.gather [hbm4b:s10+s2], $0x80, v3, vm0, $0xb8;
	[tilespmem:$0x10800] =	vst v63  }
0xda: {  	_ =	swait.ge [sflag:s17], $0x8000  }
0xdb: {  	[sflag:s17] =	ssyncset.done $0x0  }
0xdc: {  	s21 =	sadd.s32 $0x1000, s21;
	s30 =	simm.s32 $0x8800;
	[sflag:s17] =	ssyncadd.s32 $0xFFFF8000  }
0xdd: {  	[hbm4b:s21+s2] =	stream.linear.scatter [tilespmem:s30], [sflag:$0x4], $0x8000, $0x38;
	[tilespmem:$0x10800] =	vst v63  }
0xde: {  	_ =	swait.ge [sflag:s18], $0x8000  }
0xdf: {  	[sflag:s18] =	ssyncset.done $0x0  }
0xe0: {  	[sflag:s18] =	ssyncadd.s32 $0xFFFF8000  }
0xe1: {  	v3 =	vld [tilespmem:s19+$0xFFFFFFD0];
	_ =	sdelay $0x4  }
0xe2: {  	v60 =	vshll.u32 v3, $0x2  }
0xe3: {  	v3 =	vand.u32 $0x7, v3;
	v4 =	vand.u32 $0xFFFFFFE0, v60  }
0xe4: {  	v3 =	vor.u32 v3, v4  }
0xe5: {  	v4 =	vperm.xlane v3, v0;
	_ =	sdelay $0x1  }
0xe6: {  	v4 =	vadd.s32 v1, v4;
	_ =	sdelay $0x1  }
0xe7: {  	v3 =	vperm.xlane v3, v2;
	_ =	sdelay $0x1  }
0xe8: {  	v3 =	vadd.s32 v1, v3  }
0xe9: {  	[tilespmem:s30], [sflag:$0x2] =	stream.indirect_vreg.gather [hbm4b:s4+s2], $0x80, v4, vm0, $0xb8;
	[tilespmem:$0x10800] =	vst v63  }
0xea: {  	_ = 	snop  }
0xeb: {  	[tilespmem:s11], [sflag:$0x2] =	stream.indirect_vreg.gather [hbm4b:s10+s2], $0x80, v4, vm0, $0xb8;
	[tilespmem:$0x10800] =	vst v63  }
0xec: {  	_ = 	snop  }
0xed: {  	[tilespmem:s12], [sflag:$0x2] =	stream.indirect_vreg.gather [hbm4b:s4+s2], $0x80, v3, vm0, $0xb8;
	[tilespmem:$0x10800] =	vst v63  }
0xee: {  	_ = 	snop  }
0xef: {  	[tilespmem:s13], [sflag:$0x2] =	stream.indirect_vreg.gather [hbm4b:s10+s2], $0x80, v3, vm0, $0xb8;
	[tilespmem:$0x10800] =	vst v63  }
0xf0: {  	v3 =	vld [tilespmem:s19+$0xFFFFFFE0];
	_ =	sdelay $0x4  }
0xf1: {  	v61 =	vshll.u32 v3, $0x2  }
0xf2: {  	v3 =	vand.u32 $0x7, v3;
	v4 =	vand.u32 $0xFFFFFFE0, v61  }
0xf3: {  	v3 =	vor.u32 v3, v4  }
0xf4: {  	v4 =	vperm.xlane v3, v0;
	_ =	sdelay $0x1  }
0xf5: {  	v4 =	vadd.s32 v1, v4;
	_ =	sdelay $0x1  }
0xf6: {  	v3 =	vperm.xlane v3, v2;
	_ =	sdelay $0x1  }
0xf7: {  	v3 =	vadd.s32 v1, v3  }
0xf8: {  	[tilespmem:s14], [sflag:$0x2] =	stream.indirect_vreg.gather [hbm4b:s4+s2], $0x80, v4, vm0, $0xb8;
	[tilespmem:$0x10800] =	vst v63  }
0xf9: {  	_ = 	snop  }
0xfa: {  	[tilespmem:s9], [sflag:$0x2] =	stream.indirect_vreg.gather [hbm4b:s10+s2], $0x80, v4, vm0, $0xb8;
	[tilespmem:$0x10800] =	vst v63  }
0xfb: {  	_ = 	snop  }
0xfc: {  	[tilespmem:s1], [sflag:$0x2] =	stream.indirect_vreg.gather [hbm4b:s4+s2], $0x80, v3, vm0, $0xb8;
	[tilespmem:$0x10800] =	vst v63  }
0xfd: {  	s30 =	simm.s32 $0xC000  }
0xfe: {  	[tilespmem:s30], [sflag:$0x2] =	stream.indirect_vreg.gather [hbm4b:s10+s2], $0x80, v3, vm0, $0xb8;
	[tilespmem:$0x10800] =	vst v63  }
0xff: {  	v3 =	vld [tilespmem:s19+$0xFFFFFFF0];
	_ =	sdelay $0x4  }
0x100: {  	v62 =	vshll.u32 v3, $0x2  }
0x101: {  	v3 =	vand.u32 $0x7, v3;
	v4 =	vand.u32 $0xFFFFFFE0, v62  }
0x102: {  	v3 =	vor.u32 v3, v4  }
0x103: {  	v4 =	vperm.xlane v3, v0;
	_ =	sdelay $0x1  }
0x104: {  	v4 =	vadd.s32 v1, v4;
	_ =	sdelay $0x1  }
0x105: {  	v3 =	vperm.xlane v3, v2;
	_ =	sdelay $0x1  }
0x106: {  	s30 =	simm.s32 $0xC800;
	v3 =	vadd.s32 v1, v3  }
0x107: {  	[tilespmem:s30], [sflag:$0x2] =	stream.indirect_vreg.gather [hbm4b:s4+s2], $0x80, v4, vm0, $0xb8;
	[tilespmem:$0x10800] =	vst v63  }
0x108: {  	s30 =	simm.s32 $0xD000  }
0x109: {  	[tilespmem:s30], [sflag:$0x2] =	stream.indirect_vreg.gather [hbm4b:s10+s2], $0x80, v4, vm0, $0xb8;
	[tilespmem:$0x10800] =	vst v63  }
0x10a: {  	s30 =	simm.s32 $0xD800  }
0x10b: {  	[tilespmem:s30], [sflag:$0x2] =	stream.indirect_vreg.gather [hbm4b:s4+s2], $0x80, v3, vm0, $0xb8;
	[tilespmem:$0x10800] =	vst v63  }
0x10c: {  	s30 =	simm.s32 $0xE000  }
0x10d: {  	[tilespmem:s30], [sflag:$0x2] =	stream.indirect_vreg.gather [hbm4b:s10+s2], $0x80, v3, vm0, $0xb8;
	[tilespmem:$0x10800] =	vst v63  }
0x10e: {  	v3 =	vld [tilespmem:s19+$0x0];
	_ =	sdelay $0x4  }
0x10f: {  	v63 =	vshll.u32 v3, $0x2  }
0x110: {  	v3 =	vand.u32 $0x7, v3;
	v4 =	vand.u32 $0xFFFFFFE0, v63  }
0x111: {  	v3 =	vor.u32 v3, v4  }
0x112: {  	v4 =	vperm.xlane v3, v0;
	_ =	sdelay $0x1  }
0x113: {  	v4 =	vadd.s32 v1, v4;
	_ =	sdelay $0x2  }
0x114: {  	v3 =	vperm.xlane v3, v2  }
0x115: {  	s30 =	simm.s32 $0xE800  }
0x116: {  	v3 =	vadd.s32 v1, v3;
	[tilespmem:s30], [sflag:$0x2] =	stream.indirect_vreg.gather [hbm4b:s4+s2], $0x80, v4, vm0, $0xb8;
	[tilespmem:$0x10800] =	vst v63  }
0x117: {  	p0 =	sne.s32 s20, $0x1C000  }
0x118: {  	[tilespmem:s22], [sflag:$0x2] =	stream.indirect_vreg.gather [hbm4b:s10+s2], $0x80, v4, vm0, $0xb8;
	[tilespmem:$0x10800] =	vst v63  }
.Ltmp0:
0x119: {  	_ = 	snop;
	(pc) =	sbr.rel @p0 .LBB2_2-.Ltmp0, $4  }
0x11a: {  	s26 =	simm.s32 $0x800  }
0x11b: {  	[tilespmem:s28], [sflag:$0x2] =	stream.indirect_vreg.gather [hbm4b:s4+s2], $0x80, v3, vm0, $0xb8;
	[tilespmem:$0x10800] =	vst v63  }
0x11c: {  	s20 =	sadd.s32 $0x2000, s20;
	s24 =	simm.s32 $0x8800;
	s19 =	sadd.s32 $0x80, s19  }
0x11d: {  	[tilespmem:s0], [sflag:$0x2] =	stream.indirect_vreg.gather [hbm4b:s10+s2], $0x80, v3, vm0, $0xb8;
	[tilespmem:$0x10800] =	vst v63  }
0x11e: {  	_ =	swait.ge [sflag:s15], $0x8000  }
0x11f: {  	[sflag:s15] =	ssyncset.done $0x0  }
0x120: {  	s19 =	rddreg [dreg:$0x5];
	[sflag:s15] =	ssyncadd.s32 $0xFFFF8000  }
0x121: {  	[hbm4b:s19+s2] =	stream.linear.scatter [tilespmem:s26], [sflag:$0x3], $0x8000, $0x38;
	[tilespmem:$0x10800] =	vst v63  }
0x122: {  	_ =	swait.ge [sflag:s16], $0x8000  }
0x123: {  	[sflag:s16] =	ssyncset.done $0x0  }
0x124: {  	[sflag:s16] =	ssyncadd.s32 $0xFFFF8000  }
0x125: {  	_ =	swait.ge [sflag:s17], $0x8000  }
0x126: {  	s20 =	simm.s32 $0x1000;
	s21 =	simm.s32 $0x1800;
	[sflag:s17] =	ssyncset.done $0x0  }
0x127: {  	s22 =	simm.s32 $0x2000;
	s23 =	rddreg [dreg:$0x6];
	[sflag:s17] =	ssyncadd.s32 $0xFFFF8000  }
0x128: {  	[hbm4b:s23+s2] =	stream.linear.scatter [tilespmem:s24], [sflag:$0x4], $0x8000, $0x38;
	[tilespmem:$0x10800] =	vst v63  }
0x129: {  	s30 =	simm.s32 $0x3000;
	s28 =	simm.s32 $0x4000;
	_ =	swait.ge [sflag:s18], $0x8000  }
0x12a: {  	s29 =	simm.s32 $0x4800;
	s1 =	simm.s32 $0x5000;
	s0 =	rddreg [dreg:$0x8]  }
0x12b: {  	s3 =	simm.s32 $0x6000;
	s25 =	rddreg [dreg:$0x7];
	s0 =	sadd.s32 $0x1, s0  }
0x12c: {  	s5 =	simm.s32 $0x6800;
	s6 =	simm.s32 $0x7000;
	p0 =	sne.s32 s0, s25  }
.Ltmp1:
0x12d: {  	s7 =	simm.s32 $0x7800;
	s8 =	simm.s32 $0x8000;
	(pc) =	sbr.rel @p0 .LBB2_1-.Ltmp1, $4  }
0x12e: {  	s11 =	simm.s32 $0x9000;
	s12 =	simm.s32 $0x9800;
	s13 =	simm.s32 $0xA000  }
0x12f: {  	s14 =	simm.s32 $0xA800;
	s9 =	simm.s32 $0xB000;
	[sflag:s18] =	ssyncset.done $0x0  }
0x130: {  	s31 =	simm.s32 $0xB800;
	s23 =	simm.s32 $0x2800;
	[sflag:s18] =	ssyncadd.s32 $0xFFFF8000  }
0x131: {  	[dreg:$0x8] =	wrdreg s0;
	s25 =	simm.s32 $0x3800;
	s0 =	simm.s32 $0x5800  }
0x132: {  	_ =	sfence.sel $0x180000  }
0x133: {  	[bflag:$0x0] =	sbarrier.arrive $0xFFFF  }
0x134: {  	_ =	strace $0x90000047  }
0x135: {  	s0 =	stileid.u32;
	[bflag:$0x2] =	sbarrier.arrive $0xFFFF  }
0x136: {  	p0 =	sne.s32 s0, $0x0;
	s0 =	rddreg [dreg:$0x2]  }
0x137: {  	s0 =	sadd.s32 @!p0 $0x100000, s0  }
0x138: {  	[sflag:s0] =	ssyncadd.tile.s32 @!p0 $0x1;
	_ =	shalt  }
.Lfunc_end2:
_tile_overlayer_lowered:
.L_overlay_start_2:
0x139: {  	(tag) =	ssettag $0x2  }
0x13a: {  	s0 =	rddreg [dreg:$0x0];
	s2 =	stileid.u32  }
0x13b: {  	s1 =	rddreg [dreg:$0x1];
	p0 =	sne.s32 s2, $0x0  }
0x13c: {  	s3 =	rddreg [dreg:$0x2];
	[bflag:$0x3] =	sbarrier.arrive $0xFFFF;
	s2 =	simm.s32 @!p0 $0x1C05  }
0x13d: {  	[timem:s3], [sflag:s2] =	dma.local @!p0 [hbm:s0], s1  }
0x13e: {  	s0 =	simm.s32 @!p0 $0x5  }
0x13f: {  	_ =	swait.ge @!p0 [sflag:s0], s1  }
0x140: {  	s1 =	ssub.s32 @!p0 $0x0, s1;
	[sflag:s0] =	ssyncset.done @!p0 $0x0  }
0x141: {  	[sflag:s0] =	ssyncadd.s32 @!p0 s1  }
0x142: {  	[bflag:$0x3] =	sbarrier.arrive $0xFFFF  }
0x143: {  	_ =	shalt  }

</sc_bundles>
